<compile_context>
chip_gen: v7x
topology: tpu7x:2x2x1
jax: 0.10.2.dev20260603
libtpu: 0.0.44.dev20260713+nightly
codegen_flags: <defaults>
</compile_context>

<pallas_src>
import dataclasses
import functools
import math

import jax
import jax.numpy as jnp
from jax import lax
from jax.experimental import pallas as pl
from jax.experimental.pallas import tpu as pltpu
from jax.experimental.pallas import tpu_sc as plsc

_B, _N, _V, _D = 32, 1024, 1024, 1024
_MASK_ID = _V
_TPAD = 1152
_ROWS_PER_BLK = 576
_NBLK = _TPAD // _ROWS_PER_BLK
_T_TOTAL = 8
_STEP_CONST = 4
_MASK_NUM_CONST = 512
_RATIO = math.cos((_STEP_CONST / _T_TOTAL) * math.pi / 2)
_K = int(math.ceil(_MASK_NUM_CONST * _RATIO))
_TEMP = 4.5 * (1.0 - _RATIO)

_BN = _B * _N
_NUM_TILES = 32
_CHUNK = _BN // _NUM_TILES


def _tables_and_select_body(e_ref, w_ref, g_ref, mb_ref, z_ref,
                            ag_ref, sel_ref, mz_ref):
    i = pl.program_id(0)

    logits = jnp.dot(e_ref[...], w_ref[...],
                     preferred_element_type=jnp.float32)
    m = jnp.max(logits, axis=1, keepdims=True)
    e = jnp.exp(logits - m)
    s = jnp.sum(e, axis=1, keepdims=True)
    prob = e / s
    pm = jnp.max(prob, axis=1, keepdims=True)
    iota0 = lax.broadcasted_iota(jnp.int32, logits.shape, 1)
    ag = jnp.min(jnp.where(prob == pm, iota0, jnp.int32(_V + _TPAD)),
                 axis=1, keepdims=True)
    ag_ref[...] = ag

    @pl.when(i == 0)
    def _masked_z():
        mz_ref[...] = jnp.where(mb_ref[...], jnp.int32(_MASK_ID), z_ref[...])

    @pl.when(i == 1)
    def _select():
        t = jnp.float32(_TEMP)
        inf = jnp.float32(jnp.inf)
        g = g_ref[...]
        mb = mb_ref[...]
        pmv = pm[_MASK_ID - _ROWS_PER_BLK : _MASK_ID - _ROWS_PER_BLK + 1, 0:1]
        conf = jnp.where(mb, pmv + t * (-jnp.log(-jnp.log(g))), inf)
        conf = conf + jnp.float32(0.0)
        bits = lax.bitcast_convert_type(conf, jnp.int32)
        key = bits ^ jnp.where(bits < 0, jnp.int32(0x7FFFFFFF), jnp.int32(0))

        kk = jnp.int32(_K)
        n_neg = jnp.sum((key < 0).astype(jnp.int32), axis=1, keepdims=True)
        neg_class = n_neg >= kk
        rem0 = jnp.where(neg_class, kk, kk - n_neg)
        prefix0 = jnp.where(neg_class, jnp.int32(-2147483648), jnp.int32(0))

        def bit_body(j, carry):
            prefix, rem = carry
            bit = jnp.int32(1) << (jnp.int32(30) - j)
            mask_hi = -(bit << 1)
            match = (key & mask_hi) == prefix
            bit0 = (key & bit) == 0
            cnt0 = jnp.sum((match & bit0).astype(jnp.int32), axis=1,
                           keepdims=True)
            take1 = rem > cnt0
            prefix = prefix | jnp.where(take1, bit, jnp.int32(0))
            rem = rem - jnp.where(take1, cnt0, jnp.int32(0))
            return prefix, rem

        tau, _ = lax.fori_loop(0, 31, bit_body, (prefix0, rem0))

        lt = key < tau
        n_lt = jnp.sum(lt.astype(jnp.int32), axis=1, keepdims=True)
        eq = key == tau
        r = kk - n_lt
        iota = lax.broadcasted_iota(jnp.int32, key.shape, 1)

        def idx_body(j, carry):
            prefix, rem = carry
            bit = jnp.int32(1) << (jnp.int32(9) - j)
            mask_hi = -(bit << 1)
            match = eq & ((iota & mask_hi) == prefix)
            bit0 = (iota & bit) == 0
            cnt0 = jnp.sum((match & bit0).astype(jnp.int32), axis=1,
                           keepdims=True)
            take1 = rem > cnt0
            prefix = prefix | jnp.where(take1, bit, jnp.int32(0))
            rem = rem - jnp.where(take1, cnt0, jnp.int32(0))
            return prefix, rem

        idx_thr, _ = lax.fori_loop(0, 10, idx_body, (jnp.zeros_like(r), r))

        sel = jnp.logical_or(lt, jnp.logical_and(eq, iota <= idx_thr))
        sel_ref[...] = sel



def _sc_lookup_body(mz_hbm, atab_hbm, a_out, mz_v, atab_v, a_v, sem0, sem1):
    wid = lax.axis_index("s") * 2 + lax.axis_index("c")
    base = wid * _CHUNK
    pltpu.sync_copy(mz_hbm.at[pl.ds(base, _CHUNK)], a_v)
    pltpu.sync_copy(a_v, a_out.at[pl.ds(base, _CHUNK)])


def _tables_and_select(tok_emb, w_out, g, mask, z):
    return pl.pallas_call(
        _tables_and_select_body,
        grid=(_NBLK,),
        in_specs=[
            pl.BlockSpec((_ROWS_PER_BLK, _D), lambda i: (i, 0)),
            pl.BlockSpec((_D, _V), lambda i: (0, 0)),
            pl.BlockSpec((_B, _N), lambda i: (0, 0)),
            pl.BlockSpec((_B, _N), lambda i: (0, 0)),
            pl.BlockSpec((_B, _N), lambda i: (0, 0)),
        ],
        out_specs=[
            pl.BlockSpec((_ROWS_PER_BLK, 1), lambda i: (i, 0)),
            pl.BlockSpec((_B, _N), lambda i: (0, 0)),
            pl.BlockSpec((_B, _N), lambda i: (0, 0)),
        ],
        out_shape=[
            jax.ShapeDtypeStruct((_TPAD, 1), jnp.int32),
            jax.ShapeDtypeStruct((_B, _N), jnp.bool_),
            jax.ShapeDtypeStruct((_B, _N), jnp.int32),
        ],
    )(tok_emb, w_out, g, mask, z)


def _sc_lookup(mz_flat, atab):
    mesh = plsc.VectorSubcoreMesh(core_axis_name="c", subcore_axis_name="s")
    cp = pltpu.CompilerParams()
    if "needs_layout_passes" in pltpu.CompilerParams.__dataclass_fields__:
        cp = dataclasses.replace(cp, needs_layout_passes=False)
    run = pl.kernel(
        _sc_lookup_body,
        mesh=mesh,
        compiler_params=cp,
        out_type=jax.ShapeDtypeStruct((_BN,), jnp.int32),
        scratch_types=[
            pltpu.VMEM((_CHUNK,), jnp.int32),
            pltpu.VMEM((_TPAD,), jnp.int32),
            pltpu.VMEM((_CHUNK,), jnp.int32),
            pltpu.SemaphoreType.DMA,
            pltpu.SemaphoreType.DMA,
        ],
    )
    return run(mz_flat, atab)


def kernel(z_indices, mask, g, tok_emb, W_out, mask_num, step):
    z = z_indices.astype(jnp.int32)
    g = g.astype(jnp.float32)
    ag, sel, mz = _tables_and_select(tok_emb.astype(jnp.float32),
                                     W_out.astype(jnp.float32), g, mask, z)
    a_flat = _sc_lookup(mz.reshape(_BN), ag.reshape(_TPAD))
    z_pred = a_flat.reshape(_B, _N)
    return (z_pred, sel)

# --- scband reference (transcript-rebuilt; emitter-appended) ---
"""Pipeline reference for scband-mask-git-15616501088284 (READ-ONLY COPY).

The authoritative reference and input builder live on the scoring server;
editing this copy changes nothing except your own understanding.
"""

import math
import jax, jax.numpy as jnp
import numpy as np

B, N, V, D = 32, 1024, 1024, 1024
MASK_TOKEN_ID = V
CHOICE_TEMP = 4.5
T_TOTAL = 8

def setup_inputs(seed: int = 0) -> dict:
    key = jax.random.key(seed)
    ks = jax.random.split(key, 5)
    z_indices = jax.random.randint(ks[0], (B, N), 0, V)
    mask = jax.random.randint(ks[1], (B, N), 0, 2).astype(bool)
    g = jax.random.uniform(ks[2], (B, N), dtype=jnp.float32, minval=1e-9, maxval=1.0 - 1e-9)
    tok_emb = jax.random.normal(ks[3], (V + 1, D), dtype=jnp.float32) * 0.02
    W_out = jax.random.normal(ks[4], (D, V), dtype=jnp.float32) * 0.02
    return {"z_indices": z_indices, "mask": mask, "g": g, "tok_emb": tok_emb, "W_out": W_out, "mask_num": 512, "step": 4}

def reference(z_indices, mask, g, tok_emb, W_out, mask_num, step):
    # masked_z_indices = mask * mask_token_id + ~mask * z_indices
    masked_z = jnp.where(mask, MASK_TOKEN_ID, z_indices)
    # transformer stand-in: token embedding gather + output projection to codebook logits
    h = jnp.take(tok_emb, masked_z, axis=0)            # [B, N, D] gather
    logits = h @ W_out                                  # [B, N, V]
    prob = jax.nn.softmax(logits, axis=-1)
    z_pred_prob = jnp.max(prob, axis=-1)                # [B, N]
    z_pred = jnp.argmax(prob, axis=-1)                  # [B, N]
    # mask schedule (cosine gamma), static at trace time
    STEP_CONST = 4
    MASK_NUM_CONST = 512
    ratio = math.cos((STEP_CONST / T_TOTAL) * math.pi / 2)
    mask_len = int(math.ceil(MASK_NUM_CONST * ratio))
    # gumbel noise from uniform input
    gumbel = -jnp.log(-jnp.log(g))
    temperature = CHOICE_TEMP * (1.0 - ratio)
    confidence = z_pred_prob + temperature * gumbel
    confidence = confidence + ((step + mask_num) * jnp.float32(0.0))
    confidence = jnp.where(mask, confidence, jnp.inf)
    # smallest-k via top_k on negated confidence
    _, idx = jax.lax.top_k(-confidence, mask_len)       # [B, mask_len]
    mask_bc = jnp.zeros((B, N), dtype=bool)
    batch_idx = jnp.arange(B)[:, None]
    mask_bc = mask_bc.at[batch_idx, idx].set(True)
    return (z_pred, mask_bc)

if __name__ == "__main__":
    import jax
    _d = setup_inputs()
    print(jax.jit(kernel)(*tuple(_d.values())))

</pallas_src>

<mosaic_0001>
#map = affine_map<(d0, d1) -> (0)>
module attributes {stable_mosaic.version = 14 : i64} {
  func.func @_sc_lookup_body(%arg0: i32, %arg1: i32, %arg2: memref<32768xi32, #tpu.memory_space<hbm>>, %arg3: memref<1152xi32, #tpu.memory_space<hbm>>, %arg4: memref<32768xi32, #tpu.memory_space<hbm>>, %arg5: memref<1024xi32, #tpu.memory_space<vmem>>, %arg6: memref<1152xi32, #tpu.memory_space<vmem>>, %arg7: memref<1024xi32, #tpu.memory_space<vmem>>, %arg8: memref<!tpu.dma_semaphore, #tpu.memory_space<semaphore_mem>>, %arg9: memref<!tpu.dma_semaphore, #tpu.memory_space<semaphore_mem>>) attributes {dimension_semantics = [#tpu.dimension_semantics<core_parallel>, #tpu.dimension_semantics<subcore_parallel>], iteration_bounds = array<i64: 2, 16>, scalar_prefetch = 0 : i64, scratch_operands = 5 : i64, tpu.core_type = #tpu.core_type<sc_vector_subcore>, window_params = [{transform_indices = #map}, {transform_indices = #map}, {transform_indices = #map}]} {
    %mul3A = arith.constant 2 : i32
    %mul3A_0 = arith.muli %arg1, %mul3A : i32
    %add3A = arith.addi %mul3A_0, %arg0 : i32
    %mul3A_1 = arith.constant 1024 : i32
    %mul3A_2 = arith.muli %add3A, %mul3A_1 : i32
    "tpu.region"() ({
      %run_scoped3A = tpu.sem_alloc : memref<!tpu.dma_semaphore, #tpu.memory_space<semaphore_mem>>
      %dma_start3A = tpu.memref_slice %arg2[%mul3A_2] : memref<32768xi32, #tpu.memory_space<hbm>> -> memref<1024xi32, #tpu.memory_space<hbm>>
      %dma_start3A_3 = tpu.memref_slice %arg2[%mul3A_2] : memref<32768xi32, #tpu.memory_space<hbm>> -> memref<1024xi32, #tpu.memory_space<hbm>>
      tpu.enqueue_dma source(%dma_start3A_3 : memref<1024xi32, #tpu.memory_space<hbm>>) target(%arg7 : memref<1024xi32, #tpu.memory_space<vmem>>) target_semaphore(%run_scoped3A : memref<!tpu.dma_semaphore, #tpu.memory_space<semaphore_mem>>)
      %dma_wait3A = tpu.memref_slice %arg2[%mul3A_2] : memref<32768xi32, #tpu.memory_space<hbm>> -> memref<1024xi32, #tpu.memory_space<hbm>>
      %dma_wait3A_4 = tpu.memref_slice %arg2[%mul3A_2] : memref<32768xi32, #tpu.memory_space<hbm>> -> memref<1024xi32, #tpu.memory_space<hbm>>
      tpu.wait_dma2 semaphore(%run_scoped3A : memref<!tpu.dma_semaphore, #tpu.memory_space<semaphore_mem>>) src(%dma_wait3A_4 : memref<1024xi32, #tpu.memory_space<hbm>>) dst(%arg7 : memref<1024xi32, #tpu.memory_space<vmem>>)
      tpu.yield
    }) : () -> ()
    "tpu.region"() ({
      %run_scoped3A = tpu.sem_alloc : memref<!tpu.dma_semaphore, #tpu.memory_space<semaphore_mem>>
      %dma_start3A = tpu.memref_slice %arg4[%mul3A_2] : memref<32768xi32, #tpu.memory_space<hbm>> -> memref<1024xi32, #tpu.memory_space<hbm>>
      %dma_start3A_3 = tpu.memref_slice %arg4[%mul3A_2] : memref<32768xi32, #tpu.memory_space<hbm>> -> memref<1024xi32, #tpu.memory_space<hbm>>
      tpu.enqueue_dma source(%arg7 : memref<1024xi32, #tpu.memory_space<vmem>>) target(%dma_start3A_3 : memref<1024xi32, #tpu.memory_space<hbm>>) target_semaphore(%run_scoped3A : memref<!tpu.dma_semaphore, #tpu.memory_space<semaphore_mem>>)
      %dma_wait3A = tpu.memref_slice %arg4[%mul3A_2] : memref<32768xi32, #tpu.memory_space<hbm>> -> memref<1024xi32, #tpu.memory_space<hbm>>
      %dma_wait3A_4 = tpu.memref_slice %arg4[%mul3A_2] : memref<32768xi32, #tpu.memory_space<hbm>> -> memref<1024xi32, #tpu.memory_space<hbm>>
      tpu.wait_dma2 semaphore(%run_scoped3A : memref<!tpu.dma_semaphore, #tpu.memory_space<semaphore_mem>>) src(%arg7 : memref<1024xi32, #tpu.memory_space<vmem>>) dst(%dma_wait3A_4 : memref<1024xi32, #tpu.memory_space<hbm>>)
      tpu.yield
    }) : () -> ()
    return
  }
}

module attributes {stable_mosaic.version = 14 : i64} {
  func.func @_tables_and_select_body(%arg0: i32, %arg1: memref<576x1024xf32, #tpu.memory_space<vmem>>, %arg2: memref<1024x1024xf32, #tpu.memory_space<vmem>>, %arg3: memref<32x1024xf32, #tpu.memory_space<vmem>>, %arg4: memref<32x1024xi32, #tpu.memory_space<vmem>>, %arg5: memref<32x1024xi32, #tpu.memory_space<vmem>>, %arg6: memref<576x1xi32, #tpu.memory_space<vmem>>, %arg7: memref<32x1024xi32, #tpu.memory_space<vmem>>, %arg8: memref<32x1024xi32, #tpu.memory_space<vmem>>) attributes {dimension_semantics = [#tpu.dimension_semantics<arbitrary>], iteration_bounds = array<i64: 2>, scalar_prefetch = 0 : i64, scratch_operands = 0 : i64, tpu.core_type = #tpu.core_type<tc>, window_params = [{transform_indices = @transform_0, window_bounds = array<i64: 576, 1024>}, {pipeline_mode = #tpu.pipeline_mode<synchronous>, transform_indices = @transform_1, window_bounds = array<i64: 1024, 1024>}, {pipeline_mode = #tpu.pipeline_mode<synchronous>, transform_indices = @transform_2, window_bounds = array<i64: 32, 1024>}, {pipeline_mode = #tpu.pipeline_mode<synchronous>, transform_indices = @transform_3, window_bounds = array<i64: 32, 1024>}, {pipeline_mode = #tpu.pipeline_mode<synchronous>, transform_indices = @transform_4, window_bounds = array<i64: 32, 1024>}, {transform_indices = @transform_5, window_bounds = array<i64: 576, 1>}, {pipeline_mode = #tpu.pipeline_mode<synchronous>, transform_indices = @transform_6, window_bounds = array<i64: 32, 1024>}, {pipeline_mode = #tpu.pipeline_mode<synchronous>, transform_indices = @transform_7, window_bounds = array<i64: 32, 1024>}]} {
    %get3A = arith.constant 0 : index
    %get3A_0 = arith.constant 0 : index
    %get3A_1 = vector.load %arg1[%get3A, %get3A_0] : memref<576x1024xf32, #tpu.memory_space<vmem>>, vector<576x1024xf32>
    %get3A_2 = arith.constant 0 : index
    %get3A_3 = arith.constant 0 : index
    %get3A_4 = vector.load %arg2[%get3A_2, %get3A_3] : memref<1024x1024xf32, #tpu.memory_space<vmem>>, vector<1024x1024xf32>
    %dot_general3A = arith.constant dense<0.000000e+00> : vector<576x1024xf32>
    %dot_general3A_5 = tpu.matmul %get3A_1, %get3A_4, %dot_general3A {dimension_numbers = #tpu.dot_dimension_numbers<[1], [0], [0], [1], [0, 0, 1, 1], [], []>, transpose_lhs_hint = false} : vector<576x1024xf32>, vector<1024x1024xf32>, vector<576x1024xf32> -> vector<576x1024xf32>
    %reduce_max3A = arith.constant dense<0xFF800000> : vector<576xf32>
    %reduce_max3A_6 = vector.multi_reduction <maximumf>, %dot_general3A_5, %reduce_max3A [1] : vector<576x1024xf32> to vector<576xf32>
    %broadcast_in_dim3A = vector.shape_cast %reduce_max3A_6 : vector<576xf32> to vector<576x1xf32>
    %sub3A = vector.broadcast %broadcast_in_dim3A : vector<576x1xf32> to vector<576x1024xf32>
    %sub3A_7 = arith.subf %dot_general3A_5, %sub3A : vector<576x1024xf32>
    %exp3A = math.exp %sub3A_7 : vector<576x1024xf32>
    %reduce_sum3A = arith.constant dense<0.000000e+00> : vector<576xf32>
    %reduce_sum3A_8 = vector.multi_reduction <add>, %exp3A, %reduce_sum3A [1] : vector<576x1024xf32> to vector<576xf32>
    %broadcast_in_dim3A_9 = vector.shape_cast %reduce_sum3A_8 : vector<576xf32> to vector<576x1xf32>
    %div3A = vector.broadcast %broadcast_in_dim3A_9 : vector<576x1xf32> to vector<576x1024xf32>
    %div3A_10 = arith.divf %exp3A, %div3A : vector<576x1024xf32>
    %reduce_max3A_11 = arith.constant dense<0xFF800000> : vector<576xf32>
    %reduce_max3A_12 = vector.multi_reduction <maximumf>, %div3A_10, %reduce_max3A_11 [1] : vector<576x1024xf32> to vector<576xf32>
    %broadcast_in_dim3A_13 = vector.shape_cast %reduce_max3A_12 : vector<576xf32> to vector<576x1xf32>
    %iota3A = tpu.iota {dimensions = array<i32: 1>} : vector<576x1024xi32>
    %eq3A = vector.broadcast %broadcast_in_dim3A_13 : vector<576x1xf32> to vector<576x1024xf32>
    %eq3A_14 = arith.cmpf oeq, %div3A_10, %eq3A : vector<576x1024xf32>
    %jit3A = arith.constant 2176 : i32
    %broadcast_in_dim3A_15 = vector.broadcast %jit3A : i32 to vector<576x1024xi32>
    %select_n3A = arith.select %eq3A_14, %iota3A, %broadcast_in_dim3A_15 : vector<576x1024xi1>, vector<576x1024xi32>
    %reduce_min3A = arith.constant dense<2147483647> : vector<576xi32>
    %reduce_min3A_16 = vector.multi_reduction <minsi>, %select_n3A, %reduce_min3A [1] : vector<576x1024xi32> to vector<576xi32>
    %broadcast_in_dim3A_17 = vector.shape_cast %reduce_min3A_16 : vector<576xi32> to vector<576x1xi32>
    %swap3A = arith.constant 0 : index
    %swap3A_18 = arith.constant 0 : index
    %swap3A_19 = vector.load %arg6[%swap3A, %swap3A_18] : memref<576x1xi32, #tpu.memory_space<vmem>>, vector<576x1xi32>
    tpu.vector_store %arg6[%swap3A, %swap3A_18], %broadcast_in_dim3A_17 {strides = array<i32>} : memref<576x1xi32, #tpu.memory_space<vmem>>, vector<576x1xi32>,
    %eq3A_20 = arith.constant 0 : i32
    %eq3A_21 = arith.cmpi eq, %arg0, %eq3A_20 : i32
    %convert_element_type3A = arith.extui %eq3A_21 : i1 to i32
    %cond3A = arith.constant 0 : i32
    %cond3A_22 = arith.cmpi ne, %convert_element_type3A, %cond3A : i32
    scf.if %cond3A_22 {
      %get3A_28 = arith.constant 0 : index
      %get3A_29 = arith.constant 0 : index
      %get3A_30 = vector.load %arg4[%get3A_28, %get3A_29] : memref<32x1024xi32, #tpu.memory_space<vmem>>, vector<32x1024xi32>
      %get3A_31 = arith.constant dense<0> : vector<32x1024xi32>
      %get3A_32 = arith.cmpi ne, %get3A_30, %get3A_31 : vector<32x1024xi32>
      %get3A_33 = arith.constant 0 : index
      %get3A_34 = arith.constant 0 : index
      %get3A_35 = vector.load %arg5[%get3A_33, %get3A_34] : memref<32x1024xi32, #tpu.memory_space<vmem>>, vector<32x1024xi32>
      %jit3A_36 = arith.constant 1024 : i32
      %broadcast_in_dim3A_37 = vector.broadcast %jit3A_36 : i32 to vector<32x1024xi32>
      %select_n3A_38 = arith.select %get3A_32, %broadcast_in_dim3A_37, %get3A_35 : vector<32x1024xi1>, vector<32x1024xi32>
      %swap3A_39 = arith.constant 0 : index
      %swap3A_40 = arith.constant 0 : index
      %swap3A_41 = vector.load %arg8[%swap3A_39, %swap3A_40] : memref<32x1024xi32, #tpu.memory_space<vmem>>, vector<32x1024xi32>
      tpu.vector_store %arg8[%swap3A_39, %swap3A_40], %select_n3A_38 {strides = array<i32>} : memref<32x1024xi32, #tpu.memory_space<vmem>>, vector<32x1024xi32>,
    } else {
    }
    %eq3A_23 = arith.constant 1 : i32
    %eq3A_24 = arith.cmpi eq, %arg0, %eq3A_23 : i32
    %convert_element_type3A_25 = arith.extui %eq3A_24 : i1 to i32
    %cond3A_26 = arith.constant 0 : i32
    %cond3A_27 = arith.cmpi ne, %convert_element_type3A_25, %cond3A_26 : i32
    scf.if %cond3A_27 {
      %get3A_28 = arith.constant 0 : index
      %get3A_29 = arith.constant 0 : index
      %get3A_30 = vector.load %arg3[%get3A_28, %get3A_29] : memref<32x1024xf32, #tpu.memory_space<vmem>>, vector<32x1024xf32>
      %get3A_31 = arith.constant 0 : index
      %get3A_32 = arith.constant 0 : index
      %get3A_33 = vector.load %arg4[%get3A_31, %get3A_32] : memref<32x1024xi32, #tpu.memory_space<vmem>>, vector<32x1024xi32>
      %get3A_34 = arith.constant dense<0> : vector<32x1024xi32>
      %get3A_35 = arith.cmpi ne, %get3A_33, %get3A_34 : vector<32x1024xi32>
      %slice3A = vector.extract_strided_slice %broadcast_in_dim3A_13 {offsets = [448, 0], sizes = [1, 1], strides = [1, 1]} : vector<576x1xf32> to vector<1x1xf32>
      %log3A = math.log %get3A_30 : vector<32x1024xf32>
      %neg3A = arith.constant 0.000000e+00 : f32
      %neg3A_36 = vector.broadcast %neg3A : f32 to vector<32x1024xf32>
      %neg3A_37 = arith.subf %neg3A_36, %log3A : vector<32x1024xf32>
      %log3A_38 = math.log %neg3A_37 : vector<32x1024xf32>
      %neg3A_39 = arith.constant 0.000000e+00 : f32
      %neg3A_40 = vector.broadcast %neg3A_39 : f32 to vector<32x1024xf32>
      %neg3A_41 = arith.subf %neg3A_40, %log3A_38 : vector<32x1024xf32>
      %mul3A = arith.constant 1.31801951 : f32
      %mul3A_42 = vector.broadcast %mul3A : f32 to vector<32x1024xf32>
      %mul3A_43 = arith.mulf %mul3A_42, %neg3A_41 : vector<32x1024xf32>
      %add3A = vector.broadcast %slice3A : vector<1x1xf32> to vector<32x1024xf32>
      %add3A_44 = arith.addf %add3A, %mul3A_43 : vector<32x1024xf32>
      %jit3A_45 = arith.constant 0x7F800000 : f32
      %broadcast_in_dim3A_46 = vector.broadcast %jit3A_45 : f32 to vector<32x1024xf32>
      %select_n3A_47 = arith.select %get3A_35, %add3A_44, %broadcast_in_dim3A_46 : vector<32x1024xi1>, vector<32x1024xf32>
      %add3A_48 = arith.constant 0.000000e+00 : f32
      %add3A_49 = vector.broadcast %add3A_48 : f32 to vector<32x1024xf32>
      %add3A_50 = arith.addf %select_n3A_47, %add3A_49 : vector<32x1024xf32>
      %bitcast_convert_type3A = tpu.bitcast %add3A_50 : vector<32x1024xf32> -> vector<32x1024xi32>
      %lt3A = arith.constant 0 : i32
      %lt3A_51 = vector.broadcast %lt3A : i32 to vector<32x1024xi32>
      %lt3A_52 = arith.cmpi slt, %bitcast_convert_type3A, %lt3A_51 : vector<32x1024xi32>
      %jit3A_53 = arith.constant 2147483647 : i32
      %jit3A_54 = arith.constant 0 : i32
      %broadcast_in_dim3A_55 = vector.broadcast %jit3A_53 : i32 to vector<32x1024xi32>
      %broadcast_in_dim3A_56 = vector.broadcast %jit3A_54 : i32 to vector<32x1024xi32>
      %select_n3A_57 = arith.select %lt3A_52, %broadcast_in_dim3A_55, %broadcast_in_dim3A_56 : vector<32x1024xi1>, vector<32x1024xi32>
      %xor3A = arith.xori %bitcast_convert_type3A, %select_n3A_57 : vector<32x1024xi32>
      %lt3A_58 = arith.constant 0 : i32
      %lt3A_59 = vector.broadcast %lt3A_58 : i32 to vector<32x1024xi32>
      %lt3A_60 = arith.cmpi slt, %xor3A, %lt3A_59 : vector<32x1024xi32>
      %convert_element_type3A_61 = arith.extui %lt3A_60 : vector<32x1024xi1> to vector<32x1024xi32>
      %reduce_sum3A_62 = arith.constant dense<0> : vector<32xi32>
      %reduce_sum3A_63 = vector.multi_reduction <add>, %convert_element_type3A_61, %reduce_sum3A_62 [1] : vector<32x1024xi32> to vector<32xi32>
      %broadcast_in_dim3A_64 = vector.shape_cast %reduce_sum3A_63 : vector<32xi32> to vector<32x1xi32>
      %ge3A = arith.constant 363 : i32
      %ge3A_65 = vector.broadcast %ge3A : i32 to vector<32x1xi32>
      %ge3A_66 = arith.cmpi sge, %broadcast_in_dim3A_64, %ge3A_65 : vector<32x1xi32>
      %sub3A_67 = arith.constant 363 : i32
      %sub3A_68 = vector.broadcast %sub3A_67 : i32 to vector<32x1xi32>
      %sub3A_69 = arith.subi %sub3A_68, %broadcast_in_dim3A_64 : vector<32x1xi32>
      %jit3A_70 = arith.constant 363 : i32
      %broadcast_in_dim3A_71 = vector.broadcast %jit3A_70 : i32 to vector<32x1xi32>
      %select_n3A_72 = arith.select %ge3A_66, %broadcast_in_dim3A_71, %sub3A_69 : vector<32x1xi1>, vector<32x1xi32>
      %jit3A_73 = arith.constant -2147483648 : i32
      %jit3A_74 = arith.constant 0 : i32
      %broadcast_in_dim3A_75 = vector.broadcast %jit3A_73 : i32 to vector<32x1xi32>
      %broadcast_in_dim3A_76 = vector.broadcast %jit3A_74 : i32 to vector<32x1xi32>
      %select_n3A_77 = arith.select %ge3A_66, %broadcast_in_dim3A_75, %broadcast_in_dim3A_76 : vector<32x1xi1>, vector<32x1xi32>
      %scan3A = arith.constant 0 : i32
      %scan3A_78 = arith.constant 31 : i32
      %scan3A_79 = arith.addi %scan3A, %scan3A_78 : i32
      %scan3A_80 = arith.constant 1 : i32
      %scan3A_81:2 = scf.for %scan3A_110 = %scan3A to %scan3A_79 step %scan3A_80 iter_args(%scan3A_111 = %select_n3A_77, %scan3A_112 = %select_n3A_72) -> (vector<32x1xi32>, vector<32x1xi32>)  : i32 {
        %sub3A_113 = arith.constant 30 : i32
        %sub3A_114 = arith.subi %sub3A_113, %scan3A_110 : i32
        %shift_left3A = arith.constant 1 : i32
        %shift_left3A_115 = arith.shli %shift_left3A, %sub3A_114 : i32
        %shift_left3A_116 = arith.constant 1 : i32
        %shift_left3A_117 = arith.shli %shift_left3A_115, %shift_left3A_116 : i32
        %neg3A_118 = arith.constant 0 : i32
        %neg3A_119 = arith.subi %neg3A_118, %shift_left3A_117 : i32
        %and3A_120 = vector.broadcast %neg3A_119 : i32 to vector<32x1024xi32>
        %and3A_121 = arith.andi %xor3A, %and3A_120 : vector<32x1024xi32>
        %eq3A_122 = vector.broadcast %scan3A_111 : vector<32x1xi32> to vector<32x1024xi32>
        %eq3A_123 = arith.cmpi eq, %and3A_121, %eq3A_122 : vector<32x1024xi32>
        %and3A_124 = vector.broadcast %shift_left3A_115 : i32 to vector<32x1024xi32>
        %and3A_125 = arith.andi %xor3A, %and3A_124 : vector<32x1024xi32>
        %eq3A_126 = arith.constant 0 : i32
        %eq3A_127 = vector.broadcast %eq3A_126 : i32 to vector<32x1024xi32>
        %eq3A_128 = arith.cmpi eq, %and3A_125, %eq3A_127 : vector<32x1024xi32>
        %and3A_129 = arith.andi %eq3A_123, %eq3A_128 : vector<32x1024xi1>
        %convert_element_type3A_130 = arith.extui %and3A_129 : vector<32x1024xi1> to vector<32x1024xi32>
        %reduce_sum3A_131 = arith.constant dense<0> : vector<32xi32>
        %reduce_sum3A_132 = vector.multi_reduction <add>, %convert_element_type3A_130, %reduce_sum3A_131 [1] : vector<32x1024xi32> to vector<32xi32>
        %broadcast_in_dim3A_133 = vector.shape_cast %reduce_sum3A_132 : vector<32xi32> to vector<32x1xi32>
        %gt3A = arith.cmpi sgt, %scan3A_112, %broadcast_in_dim3A_133 : vector<32x1xi32>
        %jit3A_134 = arith.constant 0 : i32
        %broadcast_in_dim3A_135 = vector.broadcast %shift_left3A_115 : i32 to vector<32x1xi32>
        %broadcast_in_dim3A_136 = vector.broadcast %jit3A_134 : i32 to vector<32x1xi32>
        %select_n3A_137 = arith.select %gt3A, %broadcast_in_dim3A_135, %broadcast_in_dim3A_136 : vector<32x1xi1>, vector<32x1xi32>
        %or3A_138 = arith.ori %scan3A_111, %select_n3A_137 : vector<32x1xi32>
        %jit3A_139 = arith.constant 0 : i32
        %broadcast_in_dim3A_140 = vector.broadcast %jit3A_139 : i32 to vector<32x1xi32>
        %select_n3A_141 = arith.select %gt3A, %broadcast_in_dim3A_133, %broadcast_in_dim3A_140 : vector<32x1xi1>, vector<32x1xi32>
        %sub3A_142 = arith.subi %scan3A_112, %select_n3A_141 : vector<32x1xi32>
        scf.yield %or3A_138, %sub3A_142 : vector<32x1xi32>, vector<32x1xi32>
      }
      %scan3A_82 = arith.constant 31 : i32
      %lt3A_83 = vector.broadcast %scan3A_81#0 : vector<32x1xi32> to vector<32x1024xi32>
      %lt3A_84 = arith.cmpi slt, %xor3A, %lt3A_83 : vector<32x1024xi32>
      %convert_element_type3A_85 = arith.extui %lt3A_84 : vector<32x1024xi1> to vector<32x1024xi32>
      %reduce_sum3A_86 = arith.constant dense<0> : vector<32xi32>
      %reduce_sum3A_87 = vector.multi_reduction <add>, %convert_element_type3A_85, %reduce_sum3A_86 [1] : vector<32x1024xi32> to vector<32xi32>
      %broadcast_in_dim3A_88 = vector.shape_cast %reduce_sum3A_87 : vector<32xi32> to vector<32x1xi32>
      %eq3A_89 = vector.broadcast %scan3A_81#0 : vector<32x1xi32> to vector<32x1024xi32>
      %eq3A_90 = arith.cmpi eq, %xor3A, %eq3A_89 : vector<32x1024xi32>
      %sub3A_91 = arith.constant 363 : i32
      %sub3A_92 = vector.broadcast %sub3A_91 : i32 to vector<32x1xi32>
      %sub3A_93 = arith.subi %sub3A_92, %broadcast_in_dim3A_88 : vector<32x1xi32>
      %iota3A_94 = tpu.iota {dimensions = array<i32: 1>} : vector<32x1024xi32>
      %broadcast_in_dim3A_95 = arith.constant 0 : i32
      %broadcast_in_dim3A_96 = vector.broadcast %broadcast_in_dim3A_95 : i32 to vector<32x1xi32>
      %scan3A_97 = arith.constant 0 : i32
      %scan3A_98 = arith.constant 10 : i32
      %scan3A_99 = arith.addi %scan3A_97, %scan3A_98 : i32
      %scan3A_100 = arith.constant 1 : i32
      %scan3A_101:2 = scf.for %scan3A_110 = %scan3A_97 to %scan3A_99 step %scan3A_100 iter_args(%scan3A_111 = %broadcast_in_dim3A_96, %scan3A_112 = %sub3A_93) -> (vector<32x1xi32>, vector<32x1xi32>)  : i32 {
        %sub3A_113 = arith.constant 9 : i32
        %sub3A_114 = arith.subi %sub3A_113, %scan3A_110 : i32
        %shift_left3A = arith.constant 1 : i32
        %shift_left3A_115 = arith.shli %shift_left3A, %sub3A_114 : i32
        %shift_left3A_116 = arith.constant 1 : i32
        %shift_left3A_117 = arith.shli %shift_left3A_115, %shift_left3A_116 : i32
        %neg3A_118 = arith.constant 0 : i32
        %neg3A_119 = arith.subi %neg3A_118, %shift_left3A_117 : i32
        %and3A_120 = vector.broadcast %neg3A_119 : i32 to vector<32x1024xi32>
        %and3A_121 = arith.andi %iota3A_94, %and3A_120 : vector<32x1024xi32>
        %eq3A_122 = vector.broadcast %scan3A_111 : vector<32x1xi32> to vector<32x1024xi32>
        %eq3A_123 = arith.cmpi eq, %and3A_121, %eq3A_122 : vector<32x1024xi32>
        %and3A_124 = arith.andi %eq3A_90, %eq3A_123 : vector<32x1024xi1>
        %and3A_125 = vector.broadcast %shift_left3A_115 : i32 to vector<32x1024xi32>
        %and3A_126 = arith.andi %iota3A_94, %and3A_125 : vector<32x1024xi32>
        %eq3A_127 = arith.constant 0 : i32
        %eq3A_128 = vector.broadcast %eq3A_127 : i32 to vector<32x1024xi32>
        %eq3A_129 = arith.cmpi eq, %and3A_126, %eq3A_128 : vector<32x1024xi32>
        %and3A_130 = arith.andi %and3A_124, %eq3A_129 : vector<32x1024xi1>
        %convert_element_type3A_131 = arith.extui %and3A_130 : vector<32x1024xi1> to vector<32x1024xi32>
        %reduce_sum3A_132 = arith.constant dense<0> : vector<32xi32>
        %reduce_sum3A_133 = vector.multi_reduction <add>, %convert_element_type3A_131, %reduce_sum3A_132 [1] : vector<32x1024xi32> to vector<32xi32>
        %broadcast_in_dim3A_134 = vector.shape_cast %reduce_sum3A_133 : vector<32xi32> to vector<32x1xi32>
        %gt3A = arith.cmpi sgt, %scan3A_112, %broadcast_in_dim3A_134 : vector<32x1xi32>
        %jit3A_135 = arith.constant 0 : i32
        %broadcast_in_dim3A_136 = vector.broadcast %shift_left3A_115 : i32 to vector<32x1xi32>
        %broadcast_in_dim3A_137 = vector.broadcast %jit3A_135 : i32 to vector<32x1xi32>
        %select_n3A_138 = arith.select %gt3A, %broadcast_in_dim3A_136, %broadcast_in_dim3A_137 : vector<32x1xi1>, vector<32x1xi32>
        %or3A_139 = arith.ori %scan3A_111, %select_n3A_138 : vector<32x1xi32>
        %jit3A_140 = arith.constant 0 : i32
        %broadcast_in_dim3A_141 = vector.broadcast %jit3A_140 : i32 to vector<32x1xi32>
        %select_n3A_142 = arith.select %gt3A, %broadcast_in_dim3A_134, %broadcast_in_dim3A_141 : vector<32x1xi1>, vector<32x1xi32>
        %sub3A_143 = arith.subi %scan3A_112, %select_n3A_142 : vector<32x1xi32>
        scf.yield %or3A_139, %sub3A_143 : vector<32x1xi32>, vector<32x1xi32>
      }
      %scan3A_102 = arith.constant 10 : i32
      %le3A = vector.broadcast %scan3A_101#0 : vector<32x1xi32> to vector<32x1024xi32>
      %le3A_103 = arith.cmpi sle, %iota3A_94, %le3A : vector<32x1024xi32>
      %and3A = arith.andi %eq3A_90, %le3A_103 : vector<32x1024xi1>
      %or3A = arith.ori %lt3A_84, %and3A : vector<32x1024xi1>
      %swap3A_104 = arith.constant 0 : index
      %swap3A_105 = arith.constant 0 : index
      %swap3A_106 = vector.load %arg7[%swap3A_104, %swap3A_105] : memref<32x1024xi32, #tpu.memory_space<vmem>>, vector<32x1024xi32>
      %swap3A_107 = arith.extui %or3A : vector<32x1024xi1> to vector<32x1024xi32>
      %swap3A_108 = arith.constant dense<0> : vector<32x1024xi32>
      %swap3A_109 = arith.cmpi ne, %swap3A_106, %swap3A_108 : vector<32x1024xi32>
      tpu.vector_store %arg7[%swap3A_104, %swap3A_105], %swap3A_107 {strides = array<i32>} : memref<32x1024xi32, #tpu.memory_space<vmem>>, vector<32x1024xi32>,
    } else {
    }
    return
  }
  func.func @transform_0(%arg0: i32) -> (i32, i32) {
    %c0_i32 = arith.constant 0 : i32
    %c0_i32_0 = arith.constant 0 : i32
    return %arg0, %c0_i32 : i32, i32
  }
  func.func @transform_1(%arg0: i32) -> (i32, i32) {
    %c0_i32 = arith.constant 0 : i32
    %c0_i32_0 = arith.constant 0 : i32
    %c0_i32_1 = arith.constant 0 : i32
    return %c0_i32, %c0_i32_0 : i32, i32
  }
  func.func @transform_2(%arg0: i32) -> (i32, i32) {
    %c0_i32 = arith.constant 0 : i32
    %c0_i32_0 = arith.constant 0 : i32
    %c0_i32_1 = arith.constant 0 : i32
    return %c0_i32, %c0_i32_0 : i32, i32
  }
  func.func @transform_3(%arg0: i32) -> (i32, i32) {
    %c0_i32 = arith.constant 0 : i32
    %c0_i32_0 = arith.constant 0 : i32
    %c0_i32_1 = arith.constant 0 : i32
    return %c0_i32, %c0_i32_0 : i32, i32
  }
  func.func @transform_4(%arg0: i32) -> (i32, i32) {
    %c0_i32 = arith.constant 0 : i32
    %c0_i32_0 = arith.constant 0 : i32
    %c0_i32_1 = arith.constant 0 : i32
    return %c0_i32, %c0_i32_0 : i32, i32
  }
  func.func @transform_5(%arg0: i32) -> (i32, i32) {
    %c0_i32 = arith.constant 0 : i32
    %c0_i32_0 = arith.constant 0 : i32
    return %arg0, %c0_i32 : i32, i32
  }
  func.func @transform_6(%arg0: i32) -> (i32, i32) {
    %c0_i32 = arith.constant 0 : i32
    %c0_i32_0 = arith.constant 0 : i32
    %c0_i32_1 = arith.constant 0 : i32
    return %c0_i32, %c0_i32_0 : i32, i32
  }
  func.func @transform_7(%arg0: i32) -> (i32, i32) {
    %c0_i32 = arith.constant 0 : i32
    %c0_i32_0 = arith.constant 0 : i32
    %c0_i32_1 = arith.constant 0 : i32
    return %c0_i32, %c0_i32_0 : i32, i32
  }
}

</mosaic_0001>

<sc_bundles>
// kernel: kernel.4.cloned.1.call-start
scs
__scs_entry_jumppad:
0x0: {  	(pc) =	sbr.rel $0x88, $3  }
0x1: {  	(tag) =	ssettag $0x0;
	lr =	simm.s32 $0x1  }
0x2: {  	[smem:$0x3F9C] =	sst lr;
	_ =	strace $0xD0000000  }
0x3: {  	_ = 	snop  }
0x4: {  	_ = 	snop  }
0x5: {  	_ = 	snop  }
0x6: {  	_ = 	snop  }
0x7: {  	_ = 	snop  }
__scs_overlays_trampoline_lowered:
0x8: {  	[smem:$0x3FAB] =	sst s0  }
0x9: {  	[smem:$0x3FAC] =	sst s1  }
0xa: {  	[smem:$0x3FAD] =	sst s2  }
0xb: {  	[smem:$0x3FAE] =	sst s3  }
0xc: {  	[smem:$0x3FAF] =	sst s4  }
0xd: {  	[smem:$0x3FB0] =	sst s5  }
0xe: {  	[smem:$0x3FB1] =	sst s6  }
0xf: {  	[smem:$0x3FB2] =	sst s7  }
0x10: {  	[smem:$0x3FB3] =	sst s8  }
0x11: {  	[smem:$0x3FB4] =	sst s9;
	s0 =	simm.s32 @!p0 $0x0  }
0x12: {  	s1 =	sld [smem:$0x3F9A];
	s0 =	simm.s32 @p0 $0x1  }
0x13: {  	[smem:$0x3FB5] =	sst s0;
	s0 =	simm.s32 @!p1 $0x0  }
0x14: {  	s2 =	sld [smem:$0x3F99];
	s0 =	simm.s32 @p1 $0x1  }
0x15: {  	[smem:$0x3FB6] =	sst s0;
	s0 =	simm.s32 @!p2 $0x0  }
0x16: {  	s3 =	sld [smem:$0x3FDB];
	s0 =	simm.s32 @p2 $0x1  }
0x17: {  	s4 =	simm.s32 $0x1BF5;
	[smem:$0x3FB8] =	sst s0  }
0x18: {  	s0 =	sld [smem:$0x3F9B];
	_ =	swait.ge [sflag:s4], $0x0  }
0x19: {  	s7 =	sld [smem:$0x3F9C]  }
0x1a: {  	s8 =	sadd.s32 $0xFFFFE003, lr  }
0x1b: {  	s9 =	sadd.s32 $0xFFFFFEF7, lr;
	s5 =	simm.s32 $0xFFFFFFFF;
	p2 =	slt.u32 s8, $0xFFFFF086  }
0x1c: {  	p1 =	slt.u32 s9, $0xF7A;
	s5 =	simm.s32 @!p2 $0x0  }
0x1d: {  	s5 =	simm.s32 @p1 $0x1;
	p0 =	seq.s32 s7, s2  }
0x1e: {  	s7 =	smul.u32 @!p0 $0xF7A, s2;
	p2 =	seq.s32 @!p0 s5, $0x0  }
0x1f: {  	s9 =	smul.u32 $0xF7A, s1;
	s8 =	simm.s32 @!p0 $0x1BF5;
	p2 =	por !p2, p0  }
0x20: {  	[sflag:s8] =	ssyncset.s32 @!p0 $0xFFFFF086;
	s6 =	sadd.s32 @!p0 s3, s7;
	s7 =	simm.s32 @!p0 $0x108  }
0x21: {  	s3 =	sadd.s32 s3, s9;
	s6 =	sadd.s32 @!p0 $0x88, s6;
	s7 =	simm.s32 @p2 $0x1082  }
0x22: {  	[simem:s7], [sflag:s8] =	dma.local @!p0 [hbm:s6], $0xF7A  }
0x23: {  	s9 =	sor.u32 $0xD0000000, s2;
	s6 =	simm.s32 $0x108;
	_ =	swait.ge @!p0 [sflag:s8], $0x0  }
0x24: {  	s3 =	sadd.s32 $0x88, s3;
	s6 =	simm.s32 @!p1 $0x1082;
	[sflag:s4] =	ssyncset.s32 $0xFFFFF086  }
0x25: {  	[simem:s6], [sflag:s4] =	dma.local [hbm:s3], $0xF7A  }
0x26: {  	[smem:$0x3F9C] =	sst s1;
	(tag) =	ssettag s2;
	_ =	strace s9  }
0x27: {  	s1 =	sld [smem:$0x3FAC]  }
0x28: {  	s2 =	sld [smem:$0x3FAD]  }
0x29: {  	s4 =	sld [smem:$0x3FAF]  }
0x2a: {  	p0 =	seq.s32 s5, $0x0;
	s5 =	sld [smem:$0x3FB0]  }
0x2b: {  	s6 =	sld [smem:$0x3FB1]  }
0x2c: {  	s7 =	sld [smem:$0x3FB2]  }
0x2d: {  	s3 =	simm.s32 $0x108;
	s8 =	sld [smem:$0x3FB3]  }
0x2e: {  	s3 =	simm.s32 @!p0 $0x1082;
	s9 =	sld [smem:$0x3FB4]  }
0x2f: {  	lr =	sadd.s32 s0, s3;
	s0 =	sld [smem:$0x3FAB]  }
0x30: {  	s3 =	sld [smem:$0x3FAE]  }
0x31: {  	[smem:$0x3FB7] =	sst s10  }
0x32: {  	s10 =	sld [smem:$0x3FB5];
	_ =	sdelay $0x3  }
0x33: {  	p0 =	seq.s32 s10, $0x1;
	s10 =	sld [smem:$0x3FB7];
	_ =	sdelay $0x3  }
0x34: {  	[smem:$0x3FB7] =	sst s10  }
0x35: {  	s10 =	sld [smem:$0x3FB6];
	_ =	sdelay $0x3  }
0x36: {  	p1 =	seq.s32 s10, $0x1;
	s10 =	sld [smem:$0x3FB7];
	_ =	sdelay $0x3  }
0x37: {  	[smem:$0x3FB7] =	sst s10  }
0x38: {  	s10 =	sld [smem:$0x3FB8]  }
0x39: {  	_ = 	snop;
	(pc) =	sbr.ind lr, $3  }
0x3a: {  	_ = 	snop  }
0x3b: {  	_ = 	snop  }
0x3c: {  	p2 =	seq.s32 s10, $0x1;
	s10 =	sld [smem:$0x3FB7]  }
0x3d: {  	_ =	shalt  }
0x3e: {  	_ =	shalt  }
0x3f: {  	_ =	shalt  }
0x40: {  	_ =	shalt  }
0x41: {  	_ =	shalt  }
0x42: {  	_ =	shalt  }
0x43: {  	_ =	shalt  }
0x44: {  	_ =	shalt  }
0x45: {  	_ =	shalt  }
0x46: {  	_ =	shalt  }
0x47: {  	_ =	shalt  }
0x48: {  	_ =	shalt  }
0x49: {  	_ =	shalt  }
0x4a: {  	_ =	shalt  }
0x4b: {  	_ =	shalt  }
0x4c: {  	_ =	shalt  }
0x4d: {  	_ =	shalt  }
0x4e: {  	_ =	shalt  }
0x4f: {  	_ =	shalt  }
0x50: {  	_ =	shalt  }
0x51: {  	_ =	shalt  }
0x52: {  	_ =	shalt  }
0x53: {  	_ =	shalt  }
0x54: {  	_ =	shalt  }
0x55: {  	_ =	shalt  }
0x56: {  	_ =	shalt  }
0x57: {  	_ =	shalt  }
0x58: {  	_ =	shalt  }
0x59: {  	_ =	shalt  }
0x5a: {  	_ =	shalt  }
0x5b: {  	_ =	shalt  }
0x5c: {  	_ =	shalt  }
0x5d: {  	_ =	shalt  }
0x5e: {  	_ =	shalt  }
0x5f: {  	_ =	shalt  }
0x60: {  	_ =	shalt  }
0x61: {  	_ =	shalt  }
0x62: {  	_ =	shalt  }
0x63: {  	_ =	shalt  }
0x64: {  	_ =	shalt  }
0x65: {  	_ =	shalt  }
0x66: {  	_ =	shalt  }
0x67: {  	_ =	shalt  }
0x68: {  	_ =	shalt  }
0x69: {  	_ =	shalt  }
0x6a: {  	_ =	shalt  }
0x6b: {  	_ =	shalt  }
0x6c: {  	_ =	shalt  }
0x6d: {  	_ =	shalt  }
0x6e: {  	_ =	shalt  }
0x6f: {  	_ =	shalt  }
0x70: {  	_ =	shalt  }
0x71: {  	_ =	shalt  }
0x72: {  	_ =	shalt  }
0x73: {  	_ =	shalt  }
0x74: {  	_ =	shalt  }
0x75: {  	_ =	shalt  }
0x76: {  	_ =	shalt  }
0x77: {  	_ =	shalt  }
0x78: {  	_ =	shalt  }
0x79: {  	_ =	shalt  }
0x7a: {  	_ =	shalt  }
0x7b: {  	_ =	shalt  }
0x7c: {  	_ =	shalt  }
0x7d: {  	_ =	shalt  }
0x7e: {  	_ =	shalt  }
0x7f: {  	_ =	shalt  }
0x80: {  	_ =	shalt  }
0x81: {  	_ =	shalt  }
0x82: {  	_ =	shalt  }
0x83: {  	_ =	shalt  }
0x84: {  	_ =	shalt  }
0x85: {  	_ =	shalt  }
0x86: {  	_ =	shalt  }
0x87: {  	_ =	shalt  }
.Lfunc_end0:
.L_simem_size_0:
called_computation_lowered:
.L_overlay_start_0:
0x88: {  	s2 =	sld [smem:$0x3FD9]  }
0x89: {  	s3 =	sld [smem:$0x3FFE];
	_ =	sdelay $0x1  }
0x8a: {  	s1 =	srdreg.scid  }
0x8b: {  	s0 =	sand.u32 $0x1, s1  }
0x8c: {  	s14 =	sshll.u32 s0, $0xA;
	s2 =	sadd.s32 s3, s2  }
0x8d: {  	s2 =	sadd.s32 s2, s14  }
0x8e: {  	[smem:$0x3FC3] =	sst s2  }
0x8f: {  	_ = 	snop  }
0x90: {  	s2 =	sld [smem:$0x3FD0];
	_ =	sdelay $0x2  }
0x91: {  	s15 =	simm.s32 $0xA;
	s4 =	simm.s32 $0x10  }
0x92: {  	[smem:s4], [sflag:s15] =	dma.local [hbm:s2], $0x1  }
0x93: {  	_ =	swait.eq [sflag:s15], $0x1  }
0x94: {  	[sflag:s15] =	ssyncset.done $0x0  }
0x95: {  	[sflag:s15] =	ssyncadd.s32 $0xFFFFFFFF  }
0x96: {  	s16 =	sld [smem:$0x10];
	(tm) =	ssettm $0x1  }
0x97: {  	s17 =	sld [smem:$0x3FFB];
	_ =	sdelay $0x3  }
0x98: {  	_ =	strace s17  }
0x99: {  	s3 =	sld [smem:$0x3FFC];
	_ =	sdelay $0x3  }
0x9a: {  	_ =	strace s3  }
0x9b: {  	s3 =	sld [smem:$0x3FFD];
	_ =	sdelay $0x3  }
0x9c: {  	_ =	strace s3  }
0x9d: {  	_ =	strace $0x8FFFFFFF  }
0x9e: {  	s18 =	sld [smem:$0x3FDB];
	_ =	sdelay $0x1  }
0x9f: {  	s19 =	simm.s32 $_scs_section_size  }
0xa0: {  	s5 =	simm.s32 $_size__tile_overlayer_lowered;
	s6 =	simm.s32 $_tile_overlayer_lowered  }
0xa1: {  	s22 =	simm.s32 $0x1BFF;
	s21 =	sshll.u32 s6, $0x1;
	s3 =	sadd.s32 s19, s18  }
0xa2: {  	s7 =	simm.s32 $0x0;
	s20 =	sshll.u32 s5, $0x1;
	s5 =	sadd.s32 s21, s3  }
0xa3: {  	[timem:s7], [sflag:s22] =	dma.local [hbm:s5], s20  }
0xa4: {  	_ =	swait.ge [sflag:s22], s20  }
0xa5: {  	s4 =	ssub.s32 $0x0, s20;
	[sflag:s22] =	ssyncset.done $0x0  }
0xa6: {  	[sflag:s22] =	ssyncadd.s32 s4;
	_ =	sdelay $0x1  }
0xa7: {  	s23 =	simm.s32 $0x1B8B  }
0xa8: {  	_ =	swait.ge [sflag:s23], $0x1  }
0xa9: {  	[sflag:s23] =	ssyncset.done $0x0  }
0xaa: {  	s25 =	simm.s32 $0x1B8E;
	s24 =	sld [smem:$0x3FFE];
	[sflag:s23] =	ssyncadd.s32 $0xFFFFFFFF  }
0xab: {  	s26 =	simm.s32 $execute0_lowered;
	[smem:$0x3FD2] =	sst s25  }
0xac: {  	s5 =	sshll.u32 s26, $0x1;
	_ =	strace $0x80000046;
	[dreg:$0x1] =	wrdreg $0xFFFFFFFF  }
0xad: {  	s28 =	simm.s32 $_size_execute0_lowered;
	s3 =	sadd.s32 s3, s5;
	[dreg:$0x0] =	wrdreg $0x0  }
0xae: {  	s5 =	sshll.u32 s28, $0x1;
	[dreg:$0x2] =	wrdreg s3  }
0xaf: {  	[dreg:$0x3] =	wrdreg s5  }
0xb0: {  	[dreg:$0x4] =	wrdreg $0xC0  }
0xb1: {  	_ =	task [dreg:s7], $0x5FFFF  }
0xb2: {  	[dreg:$0x1] =	wrdreg $0xFFFFFFFF  }
0xb3: {  	[dreg:$0x0] =	wrdreg $0x60  }
0xb4: {  	[dreg:$0x2] =	wrdreg s16  }
0xb5: {  	[dreg:$0x3] =	wrdreg s24  }
0xb6: {  	[dreg:$0x4] =	wrdreg $0x9  }
0xb7: {  	_ =	task.clear_ibuf [dreg:s7], $0x5FFFF;
	_ =	strace $0x90000046  }
0xb8: {  	s29 =	simm.s32 $0x9;
	_ =	strace $0x80000048  }
0xb9: {  	_ =	swait.ge [sflag:s29], $0x1  }
0xba: {  	[sflag:s29] =	ssyncadd.s32 $0xFFFFFFFF  }
0xbb: {  	_ =	strace $0x90000048  }
0xbc: {  	_ =	sfence  }
0xbd: {  	s30 =	sld [smem:$0x0];
	_ =	sdelay $0x2  }
0xbe: {  	s31 =	sshll.u32 s1, $0xD;
	s1 =	sshrl.u32 s1, $0x2  }
0xbf: {  	s3 =	sand.u32 $0x4000, s31;
	s1 =	sadd.s32 s1, s30  }
0xc0: {  	s0 =	sor.u32 s3, s0;
	s1 =	sshll.u32 s1, $0x11  }
0xc1: {  	s0 =	sor.u32 s1, s0  }
0xc2: {  	s0 =	sadd.s32 $0x8F2B, s0  }
0xc3: {  	[sflag:s0] =	ssyncadd.remote.s32 $0x1  }
0xc4: {  	_ =	sfence.sel $0xFFFF  }
0xc5: {  	[dreg:$0x0] =	wrdreg $0xFFFFFFFF;
	(pc) =	sbr.abs _section_cstart, $3  }
0xc6: {  	[dreg:$0x1] =	wrdreg $0xFFFFFFFF  }
0xc7: {  	_ =	task.clear_ibuf [dreg:s7], $0x2FFFF;
	_ =	strace $0x9FFFFFFF  }
0xc8: {  	(tm) =	ssettm $0x7FFFFFFF  }
0xc9: {  	_ =	shalt  }
tec
execute0_lowered:
.L_overlay_start_1:
0x0: {  	(tag) =	ssettag $0x1  }
0x1: {  	s3 =	rddreg [dreg:$0x0]  }
0x2: {  	s5 =	rddreg [dreg:$0x1]  }
0x3: {  	s0 =	rddreg [dreg:$0x2];
	s4 =	srdreg.scid  }
0x4: {  	s2 =	simm.s32 $0x0;
	s1 =	stileid.u32;
	s4 =	sand.u32 $0x1, s4  }
0x5: {  	s6 =	sshll.u32 s1, $0x8;
	s7 =	sshll.u32 s4, $0x7;
	s30 =	ssub.s32 $0x2, s4  }
0x6: {  	[smem:$0x7FF] =	sst s2;
	s6 =	sor.u32 s7, s6;
	s8 =	sshrl.u32 s30, $0x1  }
0x7: {  	_ =	strace $0x80000047;
	s4 =	sadd.s32 s3, s6;
	s31 =	ssub.s32 s30, s8  }
0x8: {  	[tilespmem:s2], [sflag:$0x1] =	stream.linear.gather [hbm4b:s4+s2], $0x400, $0x38;
	[tilespmem:$0x400] =	vst v63  }
0x9: {  	s3 =	simm.s32 $0x1;
	s5 =	sadd.s32 s6, s5;
	s6 =	smax.u32 s31, $0x1  }
0xa: {  	_ =	swait.ge [sflag:s3], $0x400;
	p0 =	sne.s32 s6, $0x1  }
.Ltmp0:
0xb: {  	[sflag:s3] =	ssyncset.done $0x0;
	(pc) =	sbr.rel @!p0 .LBB2_2-.Ltmp0, $4  }
0xc: {  	s5 =	sadd.s32 $0xC00, s5;
	[sflag:s3] =	ssyncadd.s32 $0xFFFFFC00  }
0xd: {  	[hbm4b:s5+s2] =	stream.linear.scatter [tilespmem:s2], [sflag:$0x1], $0x400, $0x38;
	[tilespmem:$0x400] =	vst v63  }
0xe: {  	_ =	swait.ge [sflag:s3], $0x400  }
0xf: {  	s6 =	sadd.s32 $0xFFFFFFFF, s6;
	[sflag:s3] =	ssyncset.done $0x0  }
.LBB2_1:
0x10: {  	p0 =	sne.s32 s6, $0x1;
	s6 =	sadd.s32 $0xFFFFFFFF, s6;
	[sflag:s3] =	ssyncadd.s32 $0xFFFFFC00  }
0x11: {  	[tilespmem:s2], [sflag:$0x1] =	stream.linear.gather [hbm4b:s4+s2], $0x400, $0x38;
	[tilespmem:$0x400] =	vst v63  }
0x12: {  	_ =	swait.ge [sflag:s3], $0x400  }
.Ltmp1:
0x13: {  	[sflag:s3] =	ssyncset.done $0x0;
	(pc) =	sbr.rel @p0 .LBB2_1-.Ltmp1, $4  }
0x14: {  	[sflag:s3] =	ssyncadd.s32 $0xFFFFFC00  }
0x15: {  	[hbm4b:s5+s2] =	stream.linear.scatter [tilespmem:s2], [sflag:$0x1], $0x400, $0x38;
	[tilespmem:$0x400] =	vst v63  }
0x16: {  	_ =	swait.ge [sflag:s3], $0x400  }
0x17: {  	[sflag:s3] =	ssyncset.done $0x0  }
.LBB2_2:
0x18: {  	[sflag:s3] =	ssyncadd.s32 $0xFFFFFC00  }
0x19: {  	_ =	sfence.sel $0x180000  }
0x1a: {  	[bflag:$0x0] =	sbarrier.arrive $0xFFFF  }
0x1b: {  	p0 =	sne.s32 s1, $0x0;
	_ =	strace $0x90000047  }
0x1c: {  	s0 =	sadd.s32 @!p0 $0x100000, s0;
	[bflag:$0x2] =	sbarrier.arrive $0xFFFF  }
0x1d: {  	[sflag:s0] =	ssyncadd.tile.s32 @!p0 $0x1;
	_ =	shalt  }
.Lfunc_end2:
_tile_overlayer_lowered:
.L_overlay_start_2:
0x1e: {  	(tag) =	ssettag $0x2  }
0x1f: {  	s0 =	rddreg [dreg:$0x0];
	s2 =	stileid.u32  }
0x20: {  	s1 =	rddreg [dreg:$0x1];
	p0 =	sne.s32 s2, $0x0  }
0x21: {  	s3 =	rddreg [dreg:$0x2];
	[bflag:$0x3] =	sbarrier.arrive $0xFFFF;
	s2 =	simm.s32 @!p0 $0x1C01  }
0x22: {  	[timem:s3], [sflag:s2] =	dma.local @!p0 [hbm:s0], s1  }
0x23: {  	s0 =	simm.s32 @!p0 $0x1  }
0x24: {  	_ =	swait.ge @!p0 [sflag:s0], s1  }
0x25: {  	s1 =	ssub.s32 @!p0 $0x0, s1;
	[sflag:s0] =	ssyncset.done @!p0 $0x0  }
0x26: {  	[sflag:s0] =	ssyncadd.s32 @!p0 s1  }
0x27: {  	[bflag:$0x3] =	sbarrier.arrive $0xFFFF  }
0x28: {  	_ =	shalt  }

</sc_bundles>
